<compile_context>
chip_gen: v7x
topology: tpu7x:2x2x1
jax: 0.10.2.dev20260603
libtpu: 0.0.44.dev20260713+nightly
codegen_flags: <defaults>
</compile_context>

<pallas_src>
import functools

import jax
import jax.numpy as jnp
from jax import lax
from jax.experimental import pallas as pl
from jax.experimental.pallas import tpu as pltpu
from jax.experimental.pallas import tpu_sc as plsc

B = 16384
BARS = 8
EDIM = 32
NTAB = 4
M = B * BARS * NTAB
NC = 2
NS = 16
NW = NC * NS
PER_W = M // NW
GCHUNK = 128
ROWS_W = PER_W // GCHUNK
WCHUNK = 1024
NG = WCHUNK // GCHUNK
NCH = PER_W // WCHUNK

BINS = 8

_mesh = plsc.VectorSubcoreMesh(core_axis_name="c", subcore_axis_name="s")


@functools.partial(
    pl.kernel,
    mesh=_mesh,
    compiler_params=pltpu.CompilerParams(use_tc_tiling_on_sc=False),
    out_type=jax.ShapeDtypeStruct((M, EDIM), jnp.float32),
    scratch_types=[
        pltpu.VMEM((ROWS_W, GCHUNK), jnp.int32),
        pltpu.VMEM((2, WCHUNK, EDIM), jnp.float32),
        pltpu.SemaphoreType.DMA,
        pltpu.SemaphoreType.DMA,
    ],
)
def _sc_gather(table_hbm, idx_hbm, out_hbm, idx_v, rows_v, gsem, osem):
    wid = lax.axis_index("s") * NC + lax.axis_index("c")
    base = wid * PER_W

    pltpu.sync_copy(idx_hbm.at[pl.ds(wid * ROWS_W, ROWS_W)], idx_v)

    offs = (lax.iota(jnp.int32, 16) % NTAB) * BINS

    def _add(t, carry):
        r = t // (GCHUNK // 16)
        i = t % (GCHUNK // 16)
        sl = pl.ds(i * 16, 16)
        idx_v[r, sl] = idx_v[r, sl] + offs
        return carry

    lax.fori_loop(0, ROWS_W * (GCHUNK // 16), _add, 0)

    def _chunk(c, carry):
        buf = c % 2
        @pl.when(c >= 2)
        def _():
            pltpu.make_async_copy(
                rows_v.at[buf],
                out_hbm.at[pl.ds(base + (c - 2) * WCHUNK, WCHUNK)],
                osem,
            ).wait()

        for g in range(NG):
            pltpu.async_copy(
                table_hbm.at[idx_v.at[c * NG + g]],
                rows_v.at[buf, pl.ds(g * GCHUNK, GCHUNK)],
                gsem,
            )
        for g in range(NG):
            pltpu.make_async_copy(
                table_hbm.at[idx_v.at[c * NG + g]],
                rows_v.at[buf, pl.ds(g * GCHUNK, GCHUNK)],
                gsem,
            ).wait()
        pltpu.async_copy(
            rows_v.at[buf],
            out_hbm.at[pl.ds(base + c * WCHUNK, WCHUNK)],
            osem,
        )
        return carry

    lax.fori_loop(0, NCH, _chunk, 0)

    for c in (NCH - 2, NCH - 1):
        pltpu.make_async_copy(
            rows_v.at[c % 2],
            out_hbm.at[pl.ds(base + c * WCHUNK, WCHUNK)],
            osem,
        ).wait()


def kernel(attributes, E0, E1, E2, E3):
    table = jnp.concatenate([E0, E1, E2, E3], axis=0)
    idx2d = attributes.reshape(M // GCHUNK, GCHUNK)
    out = _sc_gather(table, idx2d)
    return out.reshape(B, BARS, NTAB * EDIM)

# --- scband reference (transcript-rebuilt; emitter-appended) ---
"""Pipeline reference for scband-attribute-embedder-65403761983759 (READ-ONLY COPY).

The authoritative reference and input builder live on the scoring server;
editing this copy changes nothing except your own understanding.
"""

import jax, jax.numpy as jnp
import numpy as np

B = 16384
BARS = 8
BINS = 8
EDIM = 32

def setup_inputs(seed: int = 0) -> dict:
    key = jax.random.key(seed)
    k_idx, k0, k1, k2, k3 = jax.random.split(key, 5)
    attributes = jax.random.randint(k_idx, (B, BARS, 4), 0, BINS, dtype=jnp.int32)
    E0 = jax.random.normal(k0, (BINS, EDIM), dtype=jnp.float32)
    E1 = jax.random.normal(k1, (BINS, EDIM), dtype=jnp.float32)
    E2 = jax.random.normal(k2, (BINS, EDIM), dtype=jnp.float32)
    E3 = jax.random.normal(k3, (BINS, EDIM), dtype=jnp.float32)
    return {"attributes": attributes, "E0": E0, "E1": E1, "E2": E2, "E3": E3}

def reference(attributes, E0, E1, E2, E3):
    a0 = jnp.take(E0, attributes[..., 0], axis=0)
    a1 = jnp.take(E1, attributes[..., 1], axis=0)
    a2 = jnp.take(E2, attributes[..., 2], axis=0)
    a3 = jnp.take(E3, attributes[..., 3], axis=0)
    return jnp.concatenate([a0, a1, a2, a3], axis=-1)

if __name__ == "__main__":
    import jax
    _d = setup_inputs()
    print(jax.jit(kernel)(*tuple(_d.values())))

</pallas_src>

<mosaic_0001>
#map = affine_map<(d0, d1) -> (0, 0)>
module attributes {stable_mosaic.version = 14 : i64} {
  func.func @_sc_gather(%arg0: i32, %arg1: i32, %arg2: memref<32x32xf32, #tpu.memory_space<hbm>>, %arg3: memref<4096x128xi32, #tpu.memory_space<hbm>>, %arg4: memref<524288x32xf32, #tpu.memory_space<hbm>>, %arg5: memref<128x128xi32, #tpu.memory_space<vmem>>, %arg6: memref<2x1024x32xf32, #tpu.memory_space<vmem>>, %arg7: memref<!tpu.dma_semaphore, #tpu.memory_space<semaphore_mem>>, %arg8: memref<!tpu.dma_semaphore, #tpu.memory_space<semaphore_mem>>) attributes {dimension_semantics = [#tpu.dimension_semantics<core_parallel>, #tpu.dimension_semantics<subcore_parallel>], iteration_bounds = array<i64: 2, 16>, scalar_prefetch = 0 : i64, scratch_operands = 4 : i64, tpu.core_type = #tpu.core_type<sc_vector_subcore>, window_params = [{transform_indices = #map}, {transform_indices = #map}, {transform_indices = #map}]} {
    %mul3A = arith.constant 2 : i32
    %mul3A_0 = arith.muli %arg1, %mul3A : i32
    %add3A = arith.addi %mul3A_0, %arg0 : i32
    %mul3A_1 = arith.constant 16384 : i32
    %mul3A_2 = arith.muli %add3A, %mul3A_1 : i32
    %mul3A_3 = arith.constant 128 : i32
    %mul3A_4 = arith.muli %add3A, %mul3A_3 : i32
    "tpu.region"() ({
      %run_scoped3A = tpu.sem_alloc : memref<!tpu.dma_semaphore, #tpu.memory_space<semaphore_mem>>
      %dma_start3A = arith.constant 0 : i32
      %dma_start3A_63 = tpu.memref_slice %arg3[%mul3A_4, %dma_start3A] : memref<4096x128xi32, #tpu.memory_space<hbm>> -> memref<128x128xi32, #tpu.memory_space<hbm>>
      %dma_start3A_64 = arith.constant 0 : i32
      %dma_start3A_65 = tpu.memref_slice %arg3[%mul3A_4, %dma_start3A_64] : memref<4096x128xi32, #tpu.memory_space<hbm>> -> memref<128x128xi32, #tpu.memory_space<hbm>>
      tpu.enqueue_dma source(%dma_start3A_65 : memref<128x128xi32, #tpu.memory_space<hbm>>) target(%arg5 : memref<128x128xi32, #tpu.memory_space<vmem>>) target_semaphore(%run_scoped3A : memref<!tpu.dma_semaphore, #tpu.memory_space<semaphore_mem>>)
      %dma_wait3A_66 = arith.constant 0 : i32
      %dma_wait3A_67 = tpu.memref_slice %arg3[%mul3A_4, %dma_wait3A_66] : memref<4096x128xi32, #tpu.memory_space<hbm>> -> memref<128x128xi32, #tpu.memory_space<hbm>>
      %dma_wait3A_68 = arith.constant 0 : i32
      %dma_wait3A_69 = tpu.memref_slice %arg3[%mul3A_4, %dma_wait3A_68] : memref<4096x128xi32, #tpu.memory_space<hbm>> -> memref<128x128xi32, #tpu.memory_space<hbm>>
      tpu.wait_dma2 semaphore(%run_scoped3A : memref<!tpu.dma_semaphore, #tpu.memory_space<semaphore_mem>>) src(%dma_wait3A_69 : memref<128x128xi32, #tpu.memory_space<hbm>>) dst(%arg5 : memref<128x128xi32, #tpu.memory_space<vmem>>)
      tpu.yield
    }) : () -> ()
    %iota3A = tpu.iota {dimensions = array<i32: 0>} : vector<16xi32>
    %jit3A = arith.constant 4 : i32
    %eq3A = arith.constant 0 : i32
    %eq3A_5 = arith.cmpi eq, %jit3A, %eq3A : i32
    %jit3A_6 = arith.constant 1 : i32
    %select_n3A = arith.select %eq3A_5, %jit3A_6, %jit3A : i32
    %rem3A = vector.broadcast %select_n3A : i32 to vector<16xi32>
    %rem3A_7 = arith.remsi %iota3A, %rem3A : vector<16xi32>
    %ne3A = arith.constant 0 : i32
    %ne3A_8 = vector.broadcast %ne3A : i32 to vector<16xi32>
    %ne3A_9 = arith.cmpi ne, %rem3A_7, %ne3A_8 : vector<16xi32>
    %lt3A = arith.constant 0 : i32
    %lt3A_10 = vector.broadcast %lt3A : i32 to vector<16xi32>
    %lt3A_11 = arith.cmpi slt, %rem3A_7, %lt3A_10 : vector<16xi32>
    %lt3A_12 = arith.constant 0 : i32
    %lt3A_13 = arith.cmpi slt, %select_n3A, %lt3A_12 : i32
    %ne3A_14 = vector.broadcast %lt3A_13 : i1 to vector<16xi1>
    %ne3A_15 = vector.broadcast %ne3A_14 : vector<16xi1> to vector<16xi1>
    %ne3A_16 = arith.xori %lt3A_11, %ne3A_15 : vector<16xi1>
    %and3A = arith.andi %ne3A_16, %ne3A_9 : vector<16xi1>
    %add3A_17 = vector.broadcast %select_n3A : i32 to vector<16xi32>
    %add3A_18 = arith.addi %rem3A_7, %add3A_17 : vector<16xi32>
    %select_n3A_19 = arith.select %and3A, %add3A_18, %rem3A_7 : vector<16xi1>, vector<16xi32>
    %mul3A_20 = arith.constant 8 : i32
    %mul3A_21 = vector.broadcast %mul3A_20 : i32 to vector<16xi32>
    %mul3A_22 = arith.muli %select_n3A_19, %mul3A_21 : vector<16xi32>
    %scan3A = arith.constant 0 : i32
    %scan3A_23 = arith.constant 0 : i32
    %scan3A_24 = arith.constant 1024 : i32
    %scan3A_25 = arith.addi %scan3A_23, %scan3A_24 : i32
    %scan3A_26 = arith.constant 1 : i32
    scf.for %scan3A_63 = %scan3A_23 to %scan3A_25 step %scan3A_26  : i32 {
      %jit3A_64 = arith.constant 8 : i32
      %div3A = arith.divsi %scan3A_63, %jit3A_64 : i32
      %sign3A = arith.constant 0 : i32
      %sign3A_65 = arith.cmpi sgt, %scan3A_63, %sign3A : i32
      %sign3A_66 = arith.extui %sign3A_65 : i1 to i32
      %sign3A_67 = arith.constant 0 : i32
      %sign3A_68 = arith.cmpi slt, %scan3A_63, %sign3A_67 : i32
      %sign3A_69 = arith.extui %sign3A_68 : i1 to i32
      %sign3A_70 = arith.subi %sign3A_66, %sign3A_69 : i32
      %sign3A_71 = arith.constant 0 : i32
      %sign3A_72 = arith.cmpi sgt, %jit3A_64, %sign3A_71 : i32
      %sign3A_73 = arith.extui %sign3A_72 : i1 to i32
      %sign3A_74 = arith.constant 0 : i32
      %sign3A_75 = arith.cmpi slt, %jit3A_64, %sign3A_74 : i32
      %sign3A_76 = arith.extui %sign3A_75 : i1 to i32
      %sign3A_77 = arith.subi %sign3A_73, %sign3A_76 : i32
      %ne3A_78 = arith.cmpi ne, %sign3A_70, %sign3A_77 : i32
      %rem3A_79 = arith.remsi %scan3A_63, %jit3A_64 : i32
      %ne3A_80 = arith.constant 0 : i32
      %ne3A_81 = arith.cmpi ne, %rem3A_79, %ne3A_80 : i32
      %and3A_82 = arith.andi %ne3A_78, %ne3A_81 : i1
      %sub3A = arith.constant 1 : i32
      %sub3A_83 = arith.subi %div3A, %sub3A : i32
      %select_n3A_84 = arith.select %and3A_82, %sub3A_83, %div3A : i32
      %jit3A_85 = arith.constant 8 : i32
      %eq3A_86 = arith.constant 0 : i32
      %eq3A_87 = arith.cmpi eq, %jit3A_85, %eq3A_86 : i32
      %jit3A_88 = arith.constant 1 : i32
      %select_n3A_89 = arith.select %eq3A_87, %jit3A_88, %jit3A_85 : i32
      %rem3A_90 = arith.remsi %scan3A_63, %select_n3A_89 : i32
      %ne3A_91 = arith.constant 0 : i32
      %ne3A_92 = arith.cmpi ne, %rem3A_90, %ne3A_91 : i32
      %lt3A_93 = arith.constant 0 : i32
      %lt3A_94 = arith.cmpi slt, %rem3A_90, %lt3A_93 : i32
      %lt3A_95 = arith.constant 0 : i32
      %lt3A_96 = arith.cmpi slt, %select_n3A_89, %lt3A_95 : i32
      %ne3A_97 = arith.xori %lt3A_94, %lt3A_96 : i1
      %and3A_98 = arith.andi %ne3A_97, %ne3A_92 : i1
      %add3A_99 = arith.addi %rem3A_90, %select_n3A_89 : i32
      %select_n3A_100 = arith.select %and3A_98, %add3A_99, %rem3A_90 : i32
      %mul3A_101 = arith.constant 16 : i32
      %mul3A_102 = arith.muli %select_n3A_100, %mul3A_101 : i32
      %get3A = arith.index_cast %select_n3A_84 : i32 to index
      %get3A_103 = arith.index_cast %mul3A_102 : i32 to index
      %get3A_104 = tpu.vector_load %arg5[%get3A, %get3A_103] {strides = array<i32>} : memref<128x128xi32, #tpu.memory_space<vmem>>, vector<1x16xi32>,
      %get3A_105 = vector.shape_cast %get3A_104 : vector<1x16xi32> to vector<16xi32>
      %add3A_106 = arith.addi %get3A_105, %mul3A_22 : vector<16xi32>
      %swap3A = arith.index_cast %select_n3A_84 : i32 to index
      %swap3A_107 = arith.index_cast %mul3A_102 : i32 to index
      %swap3A_108 = tpu.vector_load %arg5[%swap3A, %swap3A_107] {strides = array<i32>} : memref<128x128xi32, #tpu.memory_space<vmem>>, vector<1x16xi32>,
      %swap3A_109 = vector.shape_cast %swap3A_108 : vector<1x16xi32> to vector<16xi32>
      %swap3A_110 = vector.shape_cast %add3A_106 : vector<16xi32> to vector<1x16xi32>
      tpu.vector_store %arg5[%swap3A, %swap3A_107], %swap3A_110 {strides = array<i32>} : memref<128x128xi32, #tpu.memory_space<vmem>>, vector<1x16xi32>,
    }
    %scan3A_27 = arith.constant 1024 : i32
    %scan3A_28 = arith.constant 0 : i32
    %scan3A_29 = arith.constant 0 : i32
    %scan3A_30 = arith.constant 16 : i32
    %scan3A_31 = arith.addi %scan3A_29, %scan3A_30 : i32
    %scan3A_32 = arith.constant 1 : i32
    scf.for %scan3A_63 = %scan3A_29 to %scan3A_31 step %scan3A_32  : i32 {
      %jit3A_64 = arith.constant 2 : i32
      %eq3A_65 = arith.constant 0 : i32
      %eq3A_66 = arith.cmpi eq, %jit3A_64, %eq3A_65 : i32
      %jit3A_67 = arith.constant 1 : i32
      %select_n3A_68 = arith.select %eq3A_66, %jit3A_67, %jit3A_64 : i32
      %rem3A_69 = arith.remsi %scan3A_63, %select_n3A_68 : i32
      %ne3A_70 = arith.constant 0 : i32
      %ne3A_71 = arith.cmpi ne, %rem3A_69, %ne3A_70 : i32
      %lt3A_72 = arith.constant 0 : i32
      %lt3A_73 = arith.cmpi slt, %rem3A_69, %lt3A_72 : i32
      %lt3A_74 = arith.constant 0 : i32
      %lt3A_75 = arith.cmpi slt, %select_n3A_68, %lt3A_74 : i32
      %ne3A_76 = arith.xori %lt3A_73, %lt3A_75 : i1
      %and3A_77 = arith.andi %ne3A_76, %ne3A_71 : i1
      %add3A_78 = arith.addi %rem3A_69, %select_n3A_68 : i32
      %select_n3A_79 = arith.select %and3A_77, %add3A_78, %rem3A_69 : i32
      %ge3A = arith.constant 2 : i32
      %ge3A_80 = arith.cmpi sge, %scan3A_63, %ge3A : i32
      %convert_element_type3A = arith.extui %ge3A_80 : i1 to i32
      %cond3A = arith.constant 0 : i32
      %cond3A_81 = arith.cmpi ne, %convert_element_type3A, %cond3A : i32
      scf.if %cond3A_81 {
        %sub3A = arith.constant 2 : i32
        %sub3A_320 = arith.subi %scan3A_63, %sub3A : i32
        %mul3A_321 = arith.constant 1024 : i32
        %mul3A_322 = arith.muli %sub3A_320, %mul3A_321 : i32
        %add3A_323 = arith.addi %mul3A_2, %mul3A_322 : i32
        %dma_wait3A_324 = arith.constant 0 : i32
        %dma_wait3A_325 = arith.constant 0 : i32
        %dma_wait3A_326 = tpu.memref_slice %arg6[%select_n3A_79, %dma_wait3A_324, %dma_wait3A_325] : memref<2x1024x32xf32, #tpu.memory_space<vmem>> -> memref<1x1024x32xf32, #tpu.memory_space<vmem>>
        %dma_wait3A_327 = tpu.memref_squeeze %dma_wait3A_326 : memref<1x1024x32xf32, #tpu.memory_space<vmem>> -> memref<1024x32xf32, #tpu.memory_space<vmem>>
        %dma_wait3A_328 = arith.constant 0 : i32
        %dma_wait3A_329 = tpu.memref_slice %arg4[%add3A_323, %dma_wait3A_328] : memref<524288x32xf32, #tpu.memory_space<hbm>> -> memref<1024x32xf32, #tpu.memory_space<hbm>>
        %dma_wait3A_330 = arith.constant 0 : i32
        %dma_wait3A_331 = tpu.memref_slice %arg4[%add3A_323, %dma_wait3A_330] : memref<524288x32xf32, #tpu.memory_space<hbm>> -> memref<1024x32xf32, #tpu.memory_space<hbm>>
        %dma_wait3A_332 = arith.constant 0 : i32
        %dma_wait3A_333 = arith.constant 0 : i32
        %dma_wait3A_334 = tpu.memref_slice %arg6[%select_n3A_79, %dma_wait3A_332, %dma_wait3A_333] : memref<2x1024x32xf32, #tpu.memory_space<vmem>> -> memref<1x1024x32xf32, #tpu.memory_space<vmem>>
        %dma_wait3A_335 = tpu.memref_squeeze %dma_wait3A_334 : memref<1x1024x32xf32, #tpu.memory_space<vmem>> -> memref<1024x32xf32, #tpu.memory_space<vmem>>
        tpu.wait_dma2 semaphore(%arg8 : memref<!tpu.dma_semaphore, #tpu.memory_space<semaphore_mem>>) src(%dma_wait3A_335 : memref<1024x32xf32, #tpu.memory_space<vmem>>) dst(%dma_wait3A_331 : memref<1024x32xf32, #tpu.memory_space<hbm>>)
      } else {
      }
      %mul3A_82 = arith.constant 8 : i32
      %mul3A_83 = arith.muli %scan3A_63, %mul3A_82 : i32
      %add3A_84 = arith.constant 0 : i32
      %add3A_85 = arith.addi %mul3A_83, %add3A_84 : i32
      %dma_start3A = arith.constant 0 : i32
      %dma_start3A_86 = arith.constant 0 : i32
      %dma_start3A_87 = tpu.memref_slice %arg6[%select_n3A_79, %dma_start3A, %dma_start3A_86] : memref<2x1024x32xf32, #tpu.memory_space<vmem>> -> memref<1x128x32xf32, #tpu.memory_space<vmem>>
      %dma_start3A_88 = tpu.memref_squeeze %dma_start3A_87 : memref<1x128x32xf32, #tpu.memory_space<vmem>> -> memref<128x32xf32, #tpu.memory_space<vmem>>
      %dma_start3A_89 = arith.constant 0 : i32
      %dma_start3A_90 = tpu.memref_slice %arg5[%add3A_85, %dma_start3A_89] : memref<128x128xi32, #tpu.memory_space<vmem>> -> memref<1x128xi32, #tpu.memory_space<vmem>>
      %dma_start3A_91 = tpu.memref_squeeze %dma_start3A_90 : memref<1x128xi32, #tpu.memory_space<vmem>> -> memref<128xi32, #tpu.memory_space<vmem>>
      %dma_start3A_92 = arith.constant 0 : i32
      %dma_start3A_93 = arith.constant 0 : i32
      %dma_start3A_94 = tpu.memref_slice %arg2[%dma_start3A_92, %dma_start3A_93] : memref<32x32xf32, #tpu.memory_space<hbm>> -> memref<32x32xf32, #tpu.memory_space<hbm>>
      tpu.enqueue_indirect_dma source(%dma_start3A_94 : memref<32x32xf32, #tpu.memory_space<hbm>>) target(%dma_start3A_88 : memref<128x32xf32, #tpu.memory_space<vmem>>) offsets(%dma_start3A_91 : memref<128xi32, #tpu.memory_space<vmem>>) semaphore(%arg7 : memref<!tpu.dma_semaphore, #tpu.memory_space<semaphore_mem>>)
      %mul3A_95 = arith.constant 8 : i32
      %mul3A_96 = arith.muli %scan3A_63, %mul3A_95 : i32
      %add3A_97 = arith.constant 1 : i32
      %add3A_98 = arith.addi %mul3A_96, %add3A_97 : i32
      %dma_start3A_99 = arith.constant 128 : i32
      %dma_start3A_100 = arith.constant 0 : i32
      %dma_start3A_101 = tpu.memref_slice %arg6[%select_n3A_79, %dma_start3A_99, %dma_start3A_100] : memref<2x1024x32xf32, #tpu.memory_space<vmem>> -> memref<1x128x32xf32, #tpu.memory_space<vmem>>
      %dma_start3A_102 = tpu.memref_squeeze %dma_start3A_101 : memref<1x128x32xf32, #tpu.memory_space<vmem>> -> memref<128x32xf32, #tpu.memory_space<vmem>>
      %dma_start3A_103 = arith.constant 0 : i32
      %dma_start3A_104 = tpu.memref_slice %arg5[%add3A_98, %dma_start3A_103] : memref<128x128xi32, #tpu.memory_space<vmem>> -> memref<1x128xi32, #tpu.memory_space<vmem>>
      %dma_start3A_105 = tpu.memref_squeeze %dma_start3A_104 : memref<1x128xi32, #tpu.memory_space<vmem>> -> memref<128xi32, #tpu.memory_space<vmem>>
      %dma_start3A_106 = arith.constant 0 : i32
      %dma_start3A_107 = arith.constant 0 : i32
      %dma_start3A_108 = tpu.memref_slice %arg2[%dma_start3A_106, %dma_start3A_107] : memref<32x32xf32, #tpu.memory_space<hbm>> -> memref<32x32xf32, #tpu.memory_space<hbm>>
      tpu.enqueue_indirect_dma source(%dma_start3A_108 : memref<32x32xf32, #tpu.memory_space<hbm>>) target(%dma_start3A_102 : memref<128x32xf32, #tpu.memory_space<vmem>>) offsets(%dma_start3A_105 : memref<128xi32, #tpu.memory_space<vmem>>) semaphore(%arg7 : memref<!tpu.dma_semaphore, #tpu.memory_space<semaphore_mem>>)
      %mul3A_109 = arith.constant 8 : i32
      %mul3A_110 = arith.muli %scan3A_63, %mul3A_109 : i32
      %add3A_111 = arith.constant 2 : i32
      %add3A_112 = arith.addi %mul3A_110, %add3A_111 : i32
      %dma_start3A_113 = arith.constant 256 : i32
      %dma_start3A_114 = arith.constant 0 : i32
      %dma_start3A_115 = tpu.memref_slice %arg6[%select_n3A_79, %dma_start3A_113, %dma_start3A_114] : memref<2x1024x32xf32, #tpu.memory_space<vmem>> -> memref<1x128x32xf32, #tpu.memory_space<vmem>>
      %dma_start3A_116 = tpu.memref_squeeze %dma_start3A_115 : memref<1x128x32xf32, #tpu.memory_space<vmem>> -> memref<128x32xf32, #tpu.memory_space<vmem>>
      %dma_start3A_117 = arith.constant 0 : i32
      %dma_start3A_118 = tpu.memref_slice %arg5[%add3A_112, %dma_start3A_117] : memref<128x128xi32, #tpu.memory_space<vmem>> -> memref<1x128xi32, #tpu.memory_space<vmem>>
      %dma_start3A_119 = tpu.memref_squeeze %dma_start3A_118 : memref<1x128xi32, #tpu.memory_space<vmem>> -> memref<128xi32, #tpu.memory_space<vmem>>
      %dma_start3A_120 = arith.constant 0 : i32
      %dma_start3A_121 = arith.constant 0 : i32
      %dma_start3A_122 = tpu.memref_slice %arg2[%dma_start3A_120, %dma_start3A_121] : memref<32x32xf32, #tpu.memory_space<hbm>> -> memref<32x32xf32, #tpu.memory_space<hbm>>
      tpu.enqueue_indirect_dma source(%dma_start3A_122 : memref<32x32xf32, #tpu.memory_space<hbm>>) target(%dma_start3A_116 : memref<128x32xf32, #tpu.memory_space<vmem>>) offsets(%dma_start3A_119 : memref<128xi32, #tpu.memory_space<vmem>>) semaphore(%arg7 : memref<!tpu.dma_semaphore, #tpu.memory_space<semaphore_mem>>)
      %mul3A_123 = arith.constant 8 : i32
      %mul3A_124 = arith.muli %scan3A_63, %mul3A_123 : i32
      %add3A_125 = arith.constant 3 : i32
      %add3A_126 = arith.addi %mul3A_124, %add3A_125 : i32
      %dma_start3A_127 = arith.constant 384 : i32
      %dma_start3A_128 = arith.constant 0 : i32
      %dma_start3A_129 = tpu.memref_slice %arg6[%select_n3A_79, %dma_start3A_127, %dma_start3A_128] : memref<2x1024x32xf32, #tpu.memory_space<vmem>> -> memref<1x128x32xf32, #tpu.memory_space<vmem>>
      %dma_start3A_130 = tpu.memref_squeeze %dma_start3A_129 : memref<1x128x32xf32, #tpu.memory_space<vmem>> -> memref<128x32xf32, #tpu.memory_space<vmem>>
      %dma_start3A_131 = arith.constant 0 : i32
      %dma_start3A_132 = tpu.memref_slice %arg5[%add3A_126, %dma_start3A_131] : memref<128x128xi32, #tpu.memory_space<vmem>> -> memref<1x128xi32, #tpu.memory_space<vmem>>
      %dma_start3A_133 = tpu.memref_squeeze %dma_start3A_132 : memref<1x128xi32, #tpu.memory_space<vmem>> -> memref<128xi32, #tpu.memory_space<vmem>>
      %dma_start3A_134 = arith.constant 0 : i32
      %dma_start3A_135 = arith.constant 0 : i32
      %dma_start3A_136 = tpu.memref_slice %arg2[%dma_start3A_134, %dma_start3A_135] : memref<32x32xf32, #tpu.memory_space<hbm>> -> memref<32x32xf32, #tpu.memory_space<hbm>>
      tpu.enqueue_indirect_dma source(%dma_start3A_136 : memref<32x32xf32, #tpu.memory_space<hbm>>) target(%dma_start3A_130 : memref<128x32xf32, #tpu.memory_space<vmem>>) offsets(%dma_start3A_133 : memref<128xi32, #tpu.memory_space<vmem>>) semaphore(%arg7 : memref<!tpu.dma_semaphore, #tpu.memory_space<semaphore_mem>>)
      %mul3A_137 = arith.constant 8 : i32
      %mul3A_138 = arith.muli %scan3A_63, %mul3A_137 : i32
      %add3A_139 = arith.constant 4 : i32
      %add3A_140 = arith.addi %mul3A_138, %add3A_139 : i32
      %dma_start3A_141 = arith.constant 512 : i32
      %dma_start3A_142 = arith.constant 0 : i32
      %dma_start3A_143 = tpu.memref_slice %arg6[%select_n3A_79, %dma_start3A_141, %dma_start3A_142] : memref<2x1024x32xf32, #tpu.memory_space<vmem>> -> memref<1x128x32xf32, #tpu.memory_space<vmem>>
      %dma_start3A_144 = tpu.memref_squeeze %dma_start3A_143 : memref<1x128x32xf32, #tpu.memory_space<vmem>> -> memref<128x32xf32, #tpu.memory_space<vmem>>
      %dma_start3A_145 = arith.constant 0 : i32
      %dma_start3A_146 = tpu.memref_slice %arg5[%add3A_140, %dma_start3A_145] : memref<128x128xi32, #tpu.memory_space<vmem>> -> memref<1x128xi32, #tpu.memory_space<vmem>>
      %dma_start3A_147 = tpu.memref_squeeze %dma_start3A_146 : memref<1x128xi32, #tpu.memory_space<vmem>> -> memref<128xi32, #tpu.memory_space<vmem>>
      %dma_start3A_148 = arith.constant 0 : i32
      %dma_start3A_149 = arith.constant 0 : i32
      %dma_start3A_150 = tpu.memref_slice %arg2[%dma_start3A_148, %dma_start3A_149] : memref<32x32xf32, #tpu.memory_space<hbm>> -> memref<32x32xf32, #tpu.memory_space<hbm>>
      tpu.enqueue_indirect_dma source(%dma_start3A_150 : memref<32x32xf32, #tpu.memory_space<hbm>>) target(%dma_start3A_144 : memref<128x32xf32, #tpu.memory_space<vmem>>) offsets(%dma_start3A_147 : memref<128xi32, #tpu.memory_space<vmem>>) semaphore(%arg7 : memref<!tpu.dma_semaphore, #tpu.memory_space<semaphore_mem>>)
      %mul3A_151 = arith.constant 8 : i32
      %mul3A_152 = arith.muli %scan3A_63, %mul3A_151 : i32
      %add3A_153 = arith.constant 5 : i32
      %add3A_154 = arith.addi %mul3A_152, %add3A_153 : i32
      %dma_start3A_155 = arith.constant 640 : i32
      %dma_start3A_156 = arith.constant 0 : i32
      %dma_start3A_157 = tpu.memref_slice %arg6[%select_n3A_79, %dma_start3A_155, %dma_start3A_156] : memref<2x1024x32xf32, #tpu.memory_space<vmem>> -> memref<1x128x32xf32, #tpu.memory_space<vmem>>
      %dma_start3A_158 = tpu.memref_squeeze %dma_start3A_157 : memref<1x128x32xf32, #tpu.memory_space<vmem>> -> memref<128x32xf32, #tpu.memory_space<vmem>>
      %dma_start3A_159 = arith.constant 0 : i32
      %dma_start3A_160 = tpu.memref_slice %arg5[%add3A_154, %dma_start3A_159] : memref<128x128xi32, #tpu.memory_space<vmem>> -> memref<1x128xi32, #tpu.memory_space<vmem>>
      %dma_start3A_161 = tpu.memref_squeeze %dma_start3A_160 : memref<1x128xi32, #tpu.memory_space<vmem>> -> memref<128xi32, #tpu.memory_space<vmem>>
      %dma_start3A_162 = arith.constant 0 : i32
      %dma_start3A_163 = arith.constant 0 : i32
      %dma_start3A_164 = tpu.memref_slice %arg2[%dma_start3A_162, %dma_start3A_163] : memref<32x32xf32, #tpu.memory_space<hbm>> -> memref<32x32xf32, #tpu.memory_space<hbm>>
      tpu.enqueue_indirect_dma source(%dma_start3A_164 : memref<32x32xf32, #tpu.memory_space<hbm>>) target(%dma_start3A_158 : memref<128x32xf32, #tpu.memory_space<vmem>>) offsets(%dma_start3A_161 : memref<128xi32, #tpu.memory_space<vmem>>) semaphore(%arg7 : memref<!tpu.dma_semaphore, #tpu.memory_space<semaphore_mem>>)
      %mul3A_165 = arith.constant 8 : i32
      %mul3A_166 = arith.muli %scan3A_63, %mul3A_165 : i32
      %add3A_167 = arith.constant 6 : i32
      %add3A_168 = arith.addi %mul3A_166, %add3A_167 : i32
      %dma_start3A_169 = arith.constant 768 : i32
      %dma_start3A_170 = arith.constant 0 : i32
      %dma_start3A_171 = tpu.memref_slice %arg6[%select_n3A_79, %dma_start3A_169, %dma_start3A_170] : memref<2x1024x32xf32, #tpu.memory_space<vmem>> -> memref<1x128x32xf32, #tpu.memory_space<vmem>>
      %dma_start3A_172 = tpu.memref_squeeze %dma_start3A_171 : memref<1x128x32xf32, #tpu.memory_space<vmem>> -> memref<128x32xf32, #tpu.memory_space<vmem>>
      %dma_start3A_173 = arith.constant 0 : i32
      %dma_start3A_174 = tpu.memref_slice %arg5[%add3A_168, %dma_start3A_173] : memref<128x128xi32, #tpu.memory_space<vmem>> -> memref<1x128xi32, #tpu.memory_space<vmem>>
      %dma_start3A_175 = tpu.memref_squeeze %dma_start3A_174 : memref<1x128xi32, #tpu.memory_space<vmem>> -> memref<128xi32, #tpu.memory_space<vmem>>
      %dma_start3A_176 = arith.constant 0 : i32
      %dma_start3A_177 = arith.constant 0 : i32
      %dma_start3A_178 = tpu.memref_slice %arg2[%dma_start3A_176, %dma_start3A_177] : memref<32x32xf32, #tpu.memory_space<hbm>> -> memref<32x32xf32, #tpu.memory_space<hbm>>
      tpu.enqueue_indirect_dma source(%dma_start3A_178 : memref<32x32xf32, #tpu.memory_space<hbm>>) target(%dma_start3A_172 : memref<128x32xf32, #tpu.memory_space<vmem>>) offsets(%dma_start3A_175 : memref<128xi32, #tpu.memory_space<vmem>>) semaphore(%arg7 : memref<!tpu.dma_semaphore, #tpu.memory_space<semaphore_mem>>)
      %mul3A_179 = arith.constant 8 : i32
      %mul3A_180 = arith.muli %scan3A_63, %mul3A_179 : i32
      %add3A_181 = arith.constant 7 : i32
      %add3A_182 = arith.addi %mul3A_180, %add3A_181 : i32
      %dma_start3A_183 = arith.constant 896 : i32
      %dma_start3A_184 = arith.constant 0 : i32
      %dma_start3A_185 = tpu.memref_slice %arg6[%select_n3A_79, %dma_start3A_183, %dma_start3A_184] : memref<2x1024x32xf32, #tpu.memory_space<vmem>> -> memref<1x128x32xf32, #tpu.memory_space<vmem>>
      %dma_start3A_186 = tpu.memref_squeeze %dma_start3A_185 : memref<1x128x32xf32, #tpu.memory_space<vmem>> -> memref<128x32xf32, #tpu.memory_space<vmem>>
      %dma_start3A_187 = arith.constant 0 : i32
      %dma_start3A_188 = tpu.memref_slice %arg5[%add3A_182, %dma_start3A_187] : memref<128x128xi32, #tpu.memory_space<vmem>> -> memref<1x128xi32, #tpu.memory_space<vmem>>
      %dma_start3A_189 = tpu.memref_squeeze %dma_start3A_188 : memref<1x128xi32, #tpu.memory_space<vmem>> -> memref<128xi32, #tpu.memory_space<vmem>>
      %dma_start3A_190 = arith.constant 0 : i32
      %dma_start3A_191 = arith.constant 0 : i32
      %dma_start3A_192 = tpu.memref_slice %arg2[%dma_start3A_190, %dma_start3A_191] : memref<32x32xf32, #tpu.memory_space<hbm>> -> memref<32x32xf32, #tpu.memory_space<hbm>>
      tpu.enqueue_indirect_dma source(%dma_start3A_192 : memref<32x32xf32, #tpu.memory_space<hbm>>) target(%dma_start3A_186 : memref<128x32xf32, #tpu.memory_space<vmem>>) offsets(%dma_start3A_189 : memref<128xi32, #tpu.memory_space<vmem>>) semaphore(%arg7 : memref<!tpu.dma_semaphore, #tpu.memory_space<semaphore_mem>>)
      %mul3A_193 = arith.constant 8 : i32
      %mul3A_194 = arith.muli %scan3A_63, %mul3A_193 : i32
      %add3A_195 = arith.constant 0 : i32
      %add3A_196 = arith.addi %mul3A_194, %add3A_195 : i32
      %dma_wait3A_197 = arith.constant 0 : i32
      %dma_wait3A_198 = arith.constant 0 : i32
      %dma_wait3A_199 = tpu.memref_slice %arg6[%select_n3A_79, %dma_wait3A_197, %dma_wait3A_198] : memref<2x1024x32xf32, #tpu.memory_space<vmem>> -> memref<1x128x32xf32, #tpu.memory_space<vmem>>
      %dma_wait3A_200 = tpu.memref_squeeze %dma_wait3A_199 : memref<1x128x32xf32, #tpu.memory_space<vmem>> -> memref<128x32xf32, #tpu.memory_space<vmem>>
      %dma_wait3A_201 = arith.constant 0 : i32
      %dma_wait3A_202 = tpu.memref_slice %arg5[%add3A_196, %dma_wait3A_201] : memref<128x128xi32, #tpu.memory_space<vmem>> -> memref<1x128xi32, #tpu.memory_space<vmem>>
      %dma_wait3A_203 = tpu.memref_squeeze %dma_wait3A_202 : memref<1x128xi32, #tpu.memory_space<vmem>> -> memref<128xi32, #tpu.memory_space<vmem>>
      %dma_wait3A_204 = arith.constant 0 : i32
      %dma_wait3A_205 = arith.constant 0 : i32
      %dma_wait3A_206 = tpu.memref_slice %arg2[%dma_wait3A_204, %dma_wait3A_205] : memref<32x32xf32, #tpu.memory_space<hbm>> -> memref<32x32xf32, #tpu.memory_space<hbm>>
      tpu.wait_indirect_dma semaphore(%arg7 : memref<!tpu.dma_semaphore, #tpu.memory_space<semaphore_mem>>) src(%dma_wait3A_206 : memref<32x32xf32, #tpu.memory_space<hbm>>) dst(%dma_wait3A_200 : memref<128x32xf32, #tpu.memory_space<vmem>>)
      %mul3A_207 = arith.constant 8 : i32
      %mul3A_208 = arith.muli %scan3A_63, %mul3A_207 : i32
      %add3A_209 = arith.constant 1 : i32
      %add3A_210 = arith.addi %mul3A_208, %add3A_209 : i32
      %dma_wait3A_211 = arith.constant 128 : i32
      %dma_wait3A_212 = arith.constant 0 : i32
      %dma_wait3A_213 = tpu.memref_slice %arg6[%select_n3A_79, %dma_wait3A_211, %dma_wait3A_212] : memref<2x1024x32xf32, #tpu.memory_space<vmem>> -> memref<1x128x32xf32, #tpu.memory_space<vmem>>
      %dma_wait3A_214 = tpu.memref_squeeze %dma_wait3A_213 : memref<1x128x32xf32, #tpu.memory_space<vmem>> -> memref<128x32xf32, #tpu.memory_space<vmem>>
      %dma_wait3A_215 = arith.constant 0 : i32
      %dma_wait3A_216 = tpu.memref_slice %arg5[%add3A_210, %dma_wait3A_215] : memref<128x128xi32, #tpu.memory_space<vmem>> -> memref<1x128xi32, #tpu.memory_space<vmem>>
      %dma_wait3A_217 = tpu.memref_squeeze %dma_wait3A_216 : memref<1x128xi32, #tpu.memory_space<vmem>> -> memref<128xi32, #tpu.memory_space<vmem>>
      %dma_wait3A_218 = arith.constant 0 : i32
      %dma_wait3A_219 = arith.constant 0 : i32
      %dma_wait3A_220 = tpu.memref_slice %arg2[%dma_wait3A_218, %dma_wait3A_219] : memref<32x32xf32, #tpu.memory_space<hbm>> -> memref<32x32xf32, #tpu.memory_space<hbm>>
      tpu.wait_indirect_dma semaphore(%arg7 : memref<!tpu.dma_semaphore, #tpu.memory_space<semaphore_mem>>) src(%dma_wait3A_220 : memref<32x32xf32, #tpu.memory_space<hbm>>) dst(%dma_wait3A_214 : memref<128x32xf32, #tpu.memory_space<vmem>>)
      %mul3A_221 = arith.constant 8 : i32
      %mul3A_222 = arith.muli %scan3A_63, %mul3A_221 : i32
      %add3A_223 = arith.constant 2 : i32
      %add3A_224 = arith.addi %mul3A_222, %add3A_223 : i32
      %dma_wait3A_225 = arith.constant 256 : i32
      %dma_wait3A_226 = arith.constant 0 : i32
      %dma_wait3A_227 = tpu.memref_slice %arg6[%select_n3A_79, %dma_wait3A_225, %dma_wait3A_226] : memref<2x1024x32xf32, #tpu.memory_space<vmem>> -> memref<1x128x32xf32, #tpu.memory_space<vmem>>
      %dma_wait3A_228 = tpu.memref_squeeze %dma_wait3A_227 : memref<1x128x32xf32, #tpu.memory_space<vmem>> -> memref<128x32xf32, #tpu.memory_space<vmem>>
      %dma_wait3A_229 = arith.constant 0 : i32
      %dma_wait3A_230 = tpu.memref_slice %arg5[%add3A_224, %dma_wait3A_229] : memref<128x128xi32, #tpu.memory_space<vmem>> -> memref<1x128xi32, #tpu.memory_space<vmem>>
      %dma_wait3A_231 = tpu.memref_squeeze %dma_wait3A_230 : memref<1x128xi32, #tpu.memory_space<vmem>> -> memref<128xi32, #tpu.memory_space<vmem>>
      %dma_wait3A_232 = arith.constant 0 : i32
      %dma_wait3A_233 = arith.constant 0 : i32
      %dma_wait3A_234 = tpu.memref_slice %arg2[%dma_wait3A_232, %dma_wait3A_233] : memref<32x32xf32, #tpu.memory_space<hbm>> -> memref<32x32xf32, #tpu.memory_space<hbm>>
      tpu.wait_indirect_dma semaphore(%arg7 : memref<!tpu.dma_semaphore, #tpu.memory_space<semaphore_mem>>) src(%dma_wait3A_234 : memref<32x32xf32, #tpu.memory_space<hbm>>) dst(%dma_wait3A_228 : memref<128x32xf32, #tpu.memory_space<vmem>>)
      %mul3A_235 = arith.constant 8 : i32
      %mul3A_236 = arith.muli %scan3A_63, %mul3A_235 : i32
      %add3A_237 = arith.constant 3 : i32
      %add3A_238 = arith.addi %mul3A_236, %add3A_237 : i32
      %dma_wait3A_239 = arith.constant 384 : i32
      %dma_wait3A_240 = arith.constant 0 : i32
      %dma_wait3A_241 = tpu.memref_slice %arg6[%select_n3A_79, %dma_wait3A_239, %dma_wait3A_240] : memref<2x1024x32xf32, #tpu.memory_space<vmem>> -> memref<1x128x32xf32, #tpu.memory_space<vmem>>
      %dma_wait3A_242 = tpu.memref_squeeze %dma_wait3A_241 : memref<1x128x32xf32, #tpu.memory_space<vmem>> -> memref<128x32xf32, #tpu.memory_space<vmem>>
      %dma_wait3A_243 = arith.constant 0 : i32
      %dma_wait3A_244 = tpu.memref_slice %arg5[%add3A_238, %dma_wait3A_243] : memref<128x128xi32, #tpu.memory_space<vmem>> -> memref<1x128xi32, #tpu.memory_space<vmem>>
      %dma_wait3A_245 = tpu.memref_squeeze %dma_wait3A_244 : memref<1x128xi32, #tpu.memory_space<vmem>> -> memref<128xi32, #tpu.memory_space<vmem>>
      %dma_wait3A_246 = arith.constant 0 : i32
      %dma_wait3A_247 = arith.constant 0 : i32
      %dma_wait3A_248 = tpu.memref_slice %arg2[%dma_wait3A_246, %dma_wait3A_247] : memref<32x32xf32, #tpu.memory_space<hbm>> -> memref<32x32xf32, #tpu.memory_space<hbm>>
      tpu.wait_indirect_dma semaphore(%arg7 : memref<!tpu.dma_semaphore, #tpu.memory_space<semaphore_mem>>) src(%dma_wait3A_248 : memref<32x32xf32, #tpu.memory_space<hbm>>) dst(%dma_wait3A_242 : memref<128x32xf32, #tpu.memory_space<vmem>>)
      %mul3A_249 = arith.constant 8 : i32
      %mul3A_250 = arith.muli %scan3A_63, %mul3A_249 : i32
      %add3A_251 = arith.constant 4 : i32
      %add3A_252 = arith.addi %mul3A_250, %add3A_251 : i32
      %dma_wait3A_253 = arith.constant 512 : i32
      %dma_wait3A_254 = arith.constant 0 : i32
      %dma_wait3A_255 = tpu.memref_slice %arg6[%select_n3A_79, %dma_wait3A_253, %dma_wait3A_254] : memref<2x1024x32xf32, #tpu.memory_space<vmem>> -> memref<1x128x32xf32, #tpu.memory_space<vmem>>
      %dma_wait3A_256 = tpu.memref_squeeze %dma_wait3A_255 : memref<1x128x32xf32, #tpu.memory_space<vmem>> -> memref<128x32xf32, #tpu.memory_space<vmem>>
      %dma_wait3A_257 = arith.constant 0 : i32
      %dma_wait3A_258 = tpu.memref_slice %arg5[%add3A_252, %dma_wait3A_257] : memref<128x128xi32, #tpu.memory_space<vmem>> -> memref<1x128xi32, #tpu.memory_space<vmem>>
      %dma_wait3A_259 = tpu.memref_squeeze %dma_wait3A_258 : memref<1x128xi32, #tpu.memory_space<vmem>> -> memref<128xi32, #tpu.memory_space<vmem>>
      %dma_wait3A_260 = arith.constant 0 : i32
      %dma_wait3A_261 = arith.constant 0 : i32
      %dma_wait3A_262 = tpu.memref_slice %arg2[%dma_wait3A_260, %dma_wait3A_261] : memref<32x32xf32, #tpu.memory_space<hbm>> -> memref<32x32xf32, #tpu.memory_space<hbm>>
      tpu.wait_indirect_dma semaphore(%arg7 : memref<!tpu.dma_semaphore, #tpu.memory_space<semaphore_mem>>) src(%dma_wait3A_262 : memref<32x32xf32, #tpu.memory_space<hbm>>) dst(%dma_wait3A_256 : memref<128x32xf32, #tpu.memory_space<vmem>>)
      %mul3A_263 = arith.constant 8 : i32
      %mul3A_264 = arith.muli %scan3A_63, %mul3A_263 : i32
      %add3A_265 = arith.constant 5 : i32
      %add3A_266 = arith.addi %mul3A_264, %add3A_265 : i32
      %dma_wait3A_267 = arith.constant 640 : i32
      %dma_wait3A_268 = arith.constant 0 : i32
      %dma_wait3A_269 = tpu.memref_slice %arg6[%select_n3A_79, %dma_wait3A_267, %dma_wait3A_268] : memref<2x1024x32xf32, #tpu.memory_space<vmem>> -> memref<1x128x32xf32, #tpu.memory_space<vmem>>
      %dma_wait3A_270 = tpu.memref_squeeze %dma_wait3A_269 : memref<1x128x32xf32, #tpu.memory_space<vmem>> -> memref<128x32xf32, #tpu.memory_space<vmem>>
      %dma_wait3A_271 = arith.constant 0 : i32
      %dma_wait3A_272 = tpu.memref_slice %arg5[%add3A_266, %dma_wait3A_271] : memref<128x128xi32, #tpu.memory_space<vmem>> -> memref<1x128xi32, #tpu.memory_space<vmem>>
      %dma_wait3A_273 = tpu.memref_squeeze %dma_wait3A_272 : memref<1x128xi32, #tpu.memory_space<vmem>> -> memref<128xi32, #tpu.memory_space<vmem>>
      %dma_wait3A_274 = arith.constant 0 : i32
      %dma_wait3A_275 = arith.constant 0 : i32
      %dma_wait3A_276 = tpu.memref_slice %arg2[%dma_wait3A_274, %dma_wait3A_275] : memref<32x32xf32, #tpu.memory_space<hbm>> -> memref<32x32xf32, #tpu.memory_space<hbm>>
      tpu.wait_indirect_dma semaphore(%arg7 : memref<!tpu.dma_semaphore, #tpu.memory_space<semaphore_mem>>) src(%dma_wait3A_276 : memref<32x32xf32, #tpu.memory_space<hbm>>) dst(%dma_wait3A_270 : memref<128x32xf32, #tpu.memory_space<vmem>>)
      %mul3A_277 = arith.constant 8 : i32
      %mul3A_278 = arith.muli %scan3A_63, %mul3A_277 : i32
      %add3A_279 = arith.constant 6 : i32
      %add3A_280 = arith.addi %mul3A_278, %add3A_279 : i32
      %dma_wait3A_281 = arith.constant 768 : i32
      %dma_wait3A_282 = arith.constant 0 : i32
      %dma_wait3A_283 = tpu.memref_slice %arg6[%select_n3A_79, %dma_wait3A_281, %dma_wait3A_282] : memref<2x1024x32xf32, #tpu.memory_space<vmem>> -> memref<1x128x32xf32, #tpu.memory_space<vmem>>
      %dma_wait3A_284 = tpu.memref_squeeze %dma_wait3A_283 : memref<1x128x32xf32, #tpu.memory_space<vmem>> -> memref<128x32xf32, #tpu.memory_space<vmem>>
      %dma_wait3A_285 = arith.constant 0 : i32
      %dma_wait3A_286 = tpu.memref_slice %arg5[%add3A_280, %dma_wait3A_285] : memref<128x128xi32, #tpu.memory_space<vmem>> -> memref<1x128xi32, #tpu.memory_space<vmem>>
      %dma_wait3A_287 = tpu.memref_squeeze %dma_wait3A_286 : memref<1x128xi32, #tpu.memory_space<vmem>> -> memref<128xi32, #tpu.memory_space<vmem>>
      %dma_wait3A_288 = arith.constant 0 : i32
      %dma_wait3A_289 = arith.constant 0 : i32
      %dma_wait3A_290 = tpu.memref_slice %arg2[%dma_wait3A_288, %dma_wait3A_289] : memref<32x32xf32, #tpu.memory_space<hbm>> -> memref<32x32xf32, #tpu.memory_space<hbm>>
      tpu.wait_indirect_dma semaphore(%arg7 : memref<!tpu.dma_semaphore, #tpu.memory_space<semaphore_mem>>) src(%dma_wait3A_290 : memref<32x32xf32, #tpu.memory_space<hbm>>) dst(%dma_wait3A_284 : memref<128x32xf32, #tpu.memory_space<vmem>>)
      %mul3A_291 = arith.constant 8 : i32
      %mul3A_292 = arith.muli %scan3A_63, %mul3A_291 : i32
      %add3A_293 = arith.constant 7 : i32
      %add3A_294 = arith.addi %mul3A_292, %add3A_293 : i32
      %dma_wait3A_295 = arith.constant 896 : i32
      %dma_wait3A_296 = arith.constant 0 : i32
      %dma_wait3A_297 = tpu.memref_slice %arg6[%select_n3A_79, %dma_wait3A_295, %dma_wait3A_296] : memref<2x1024x32xf32, #tpu.memory_space<vmem>> -> memref<1x128x32xf32, #tpu.memory_space<vmem>>
      %dma_wait3A_298 = tpu.memref_squeeze %dma_wait3A_297 : memref<1x128x32xf32, #tpu.memory_space<vmem>> -> memref<128x32xf32, #tpu.memory_space<vmem>>
      %dma_wait3A_299 = arith.constant 0 : i32
      %dma_wait3A_300 = tpu.memref_slice %arg5[%add3A_294, %dma_wait3A_299] : memref<128x128xi32, #tpu.memory_space<vmem>> -> memref<1x128xi32, #tpu.memory_space<vmem>>
      %dma_wait3A_301 = tpu.memref_squeeze %dma_wait3A_300 : memref<1x128xi32, #tpu.memory_space<vmem>> -> memref<128xi32, #tpu.memory_space<vmem>>
      %dma_wait3A_302 = arith.constant 0 : i32
      %dma_wait3A_303 = arith.constant 0 : i32
      %dma_wait3A_304 = tpu.memref_slice %arg2[%dma_wait3A_302, %dma_wait3A_303] : memref<32x32xf32, #tpu.memory_space<hbm>> -> memref<32x32xf32, #tpu.memory_space<hbm>>
      tpu.wait_indirect_dma semaphore(%arg7 : memref<!tpu.dma_semaphore, #tpu.memory_space<semaphore_mem>>) src(%dma_wait3A_304 : memref<32x32xf32, #tpu.memory_space<hbm>>) dst(%dma_wait3A_298 : memref<128x32xf32, #tpu.memory_space<vmem>>)
      %mul3A_305 = arith.constant 1024 : i32
      %mul3A_306 = arith.muli %scan3A_63, %mul3A_305 : i32
      %add3A_307 = arith.addi %mul3A_2, %mul3A_306 : i32
      %dma_start3A_308 = arith.constant 0 : i32
      %dma_start3A_309 = arith.constant 0 : i32
      %dma_start3A_310 = tpu.memref_slice %arg6[%select_n3A_79, %dma_start3A_308, %dma_start3A_309] : memref<2x1024x32xf32, #tpu.memory_space<vmem>> -> memref<1x1024x32xf32, #tpu.memory_space<vmem>>
      %dma_start3A_311 = tpu.memref_squeeze %dma_start3A_310 : memref<1x1024x32xf32, #tpu.memory_space<vmem>> -> memref<1024x32xf32, #tpu.memory_space<vmem>>
      %dma_start3A_312 = arith.constant 0 : i32
      %dma_start3A_313 = tpu.memref_slice %arg4[%add3A_307, %dma_start3A_312] : memref<524288x32xf32, #tpu.memory_space<hbm>> -> memref<1024x32xf32, #tpu.memory_space<hbm>>
      %dma_start3A_314 = arith.constant 0 : i32
      %dma_start3A_315 = tpu.memref_slice %arg4[%add3A_307, %dma_start3A_314] : memref<524288x32xf32, #tpu.memory_space<hbm>> -> memref<1024x32xf32, #tpu.memory_space<hbm>>
      %dma_start3A_316 = arith.constant 0 : i32
      %dma_start3A_317 = arith.constant 0 : i32
      %dma_start3A_318 = tpu.memref_slice %arg6[%select_n3A_79, %dma_start3A_316, %dma_start3A_317] : memref<2x1024x32xf32, #tpu.memory_space<vmem>> -> memref<1x1024x32xf32, #tpu.memory_space<vmem>>
      %dma_start3A_319 = tpu.memref_squeeze %dma_start3A_318 : memref<1x1024x32xf32, #tpu.memory_space<vmem>> -> memref<1024x32xf32, #tpu.memory_space<vmem>>
      tpu.enqueue_dma source(%dma_start3A_319 : memref<1024x32xf32, #tpu.memory_space<vmem>>) target(%dma_start3A_315 : memref<1024x32xf32, #tpu.memory_space<hbm>>) target_semaphore(%arg8 : memref<!tpu.dma_semaphore, #tpu.memory_space<semaphore_mem>>)
    }
    %scan3A_33 = arith.constant 16 : i32
    %add3A_34 = arith.constant 14336 : i32
    %add3A_35 = arith.addi %mul3A_2, %add3A_34 : i32
    %dma_wait3A = arith.constant 0 : i32
    %dma_wait3A_36 = arith.constant 0 : i32
    %dma_wait3A_37 = arith.constant 0 : i32
    %dma_wait3A_38 = tpu.memref_slice %arg6[%dma_wait3A, %dma_wait3A_36, %dma_wait3A_37] : memref<2x1024x32xf32, #tpu.memory_space<vmem>> -> memref<1x1024x32xf32, #tpu.memory_space<vmem>>
    %dma_wait3A_39 = tpu.memref_squeeze %dma_wait3A_38 : memref<1x1024x32xf32, #tpu.memory_space<vmem>> -> memref<1024x32xf32, #tpu.memory_space<vmem>>
    %dma_wait3A_40 = arith.constant 0 : i32
    %dma_wait3A_41 = tpu.memref_slice %arg4[%add3A_35, %dma_wait3A_40] : memref<524288x32xf32, #tpu.memory_space<hbm>> -> memref<1024x32xf32, #tpu.memory_space<hbm>>
    %dma_wait3A_42 = arith.constant 0 : i32
    %dma_wait3A_43 = tpu.memref_slice %arg4[%add3A_35, %dma_wait3A_42] : memref<524288x32xf32, #tpu.memory_space<hbm>> -> memref<1024x32xf32, #tpu.memory_space<hbm>>
    %dma_wait3A_44 = arith.constant 0 : i32
    %dma_wait3A_45 = arith.constant 0 : i32
    %dma_wait3A_46 = tpu.memref_slice %arg6[%dma_wait3A, %dma_wait3A_44, %dma_wait3A_45] : memref<2x1024x32xf32, #tpu.memory_space<vmem>> -> memref<1x1024x32xf32, #tpu.memory_space<vmem>>
    %dma_wait3A_47 = tpu.memref_squeeze %dma_wait3A_46 : memref<1x1024x32xf32, #tpu.memory_space<vmem>> -> memref<1024x32xf32, #tpu.memory_space<vmem>>
    tpu.wait_dma2 semaphore(%arg8 : memref<!tpu.dma_semaphore, #tpu.memory_space<semaphore_mem>>) src(%dma_wait3A_47 : memref<1024x32xf32, #tpu.memory_space<vmem>>) dst(%dma_wait3A_43 : memref<1024x32xf32, #tpu.memory_space<hbm>>)
    %add3A_48 = arith.constant 15360 : i32
    %add3A_49 = arith.addi %mul3A_2, %add3A_48 : i32
    %dma_wait3A_50 = arith.constant 1 : i32
    %dma_wait3A_51 = arith.constant 0 : i32
    %dma_wait3A_52 = arith.constant 0 : i32
    %dma_wait3A_53 = tpu.memref_slice %arg6[%dma_wait3A_50, %dma_wait3A_51, %dma_wait3A_52] : memref<2x1024x32xf32, #tpu.memory_space<vmem>> -> memref<1x1024x32xf32, #tpu.memory_space<vmem>>
    %dma_wait3A_54 = tpu.memref_squeeze %dma_wait3A_53 : memref<1x1024x32xf32, #tpu.memory_space<vmem>> -> memref<1024x32xf32, #tpu.memory_space<vmem>>
    %dma_wait3A_55 = arith.constant 0 : i32
    %dma_wait3A_56 = tpu.memref_slice %arg4[%add3A_49, %dma_wait3A_55] : memref<524288x32xf32, #tpu.memory_space<hbm>> -> memref<1024x32xf32, #tpu.memory_space<hbm>>
    %dma_wait3A_57 = arith.constant 0 : i32
    %dma_wait3A_58 = tpu.memref_slice %arg4[%add3A_49, %dma_wait3A_57] : memref<524288x32xf32, #tpu.memory_space<hbm>> -> memref<1024x32xf32, #tpu.memory_space<hbm>>
    %dma_wait3A_59 = arith.constant 0 : i32
    %dma_wait3A_60 = arith.constant 0 : i32
    %dma_wait3A_61 = tpu.memref_slice %arg6[%dma_wait3A_50, %dma_wait3A_59, %dma_wait3A_60] : memref<2x1024x32xf32, #tpu.memory_space<vmem>> -> memref<1x1024x32xf32, #tpu.memory_space<vmem>>
    %dma_wait3A_62 = tpu.memref_squeeze %dma_wait3A_61 : memref<1x1024x32xf32, #tpu.memory_space<vmem>> -> memref<1024x32xf32, #tpu.memory_space<vmem>>
    tpu.wait_dma2 semaphore(%arg8 : memref<!tpu.dma_semaphore, #tpu.memory_space<semaphore_mem>>) src(%dma_wait3A_62 : memref<1024x32xf32, #tpu.memory_space<vmem>>) dst(%dma_wait3A_58 : memref<1024x32xf32, #tpu.memory_space<hbm>>)
    return
  }
}

</mosaic_0001>

<sc_bundles>
// kernel: kernel.3.cloned.1.call-start
scs
__scs_entry_jumppad:
0x0: {  	(pc) =	sbr.rel $0x88, $3  }
0x1: {  	(tag) =	ssettag $0x0;
	lr =	simm.s32 $0x1  }
0x2: {  	[smem:$0x3F9C] =	sst lr;
	_ =	strace $0xD0000000  }
0x3: {  	_ = 	snop  }
0x4: {  	_ = 	snop  }
0x5: {  	_ = 	snop  }
0x6: {  	_ = 	snop  }
0x7: {  	_ = 	snop  }
__scs_overlays_trampoline_lowered:
0x8: {  	[smem:$0x3FAB] =	sst s0  }
0x9: {  	[smem:$0x3FAC] =	sst s1  }
0xa: {  	[smem:$0x3FAD] =	sst s2  }
0xb: {  	[smem:$0x3FAE] =	sst s3  }
0xc: {  	[smem:$0x3FAF] =	sst s4  }
0xd: {  	[smem:$0x3FB0] =	sst s5  }
0xe: {  	[smem:$0x3FB1] =	sst s6  }
0xf: {  	[smem:$0x3FB2] =	sst s7  }
0x10: {  	[smem:$0x3FB3] =	sst s8  }
0x11: {  	[smem:$0x3FB4] =	sst s9;
	s0 =	simm.s32 @!p0 $0x0  }
0x12: {  	s1 =	sld [smem:$0x3F9A];
	s0 =	simm.s32 @p0 $0x1  }
0x13: {  	[smem:$0x3FB5] =	sst s0;
	s0 =	simm.s32 @!p1 $0x0  }
0x14: {  	s2 =	sld [smem:$0x3F99];
	s0 =	simm.s32 @p1 $0x1  }
0x15: {  	[smem:$0x3FB6] =	sst s0;
	s0 =	simm.s32 @!p2 $0x0  }
0x16: {  	s3 =	sld [smem:$0x3FDB];
	s0 =	simm.s32 @p2 $0x1  }
0x17: {  	s4 =	simm.s32 $0x1BF5;
	[smem:$0x3FB8] =	sst s0  }
0x18: {  	s0 =	sld [smem:$0x3F9B];
	_ =	swait.ge [sflag:s4], $0x0  }
0x19: {  	s7 =	sld [smem:$0x3F9C]  }
0x1a: {  	s8 =	sadd.s32 $0xFFFFE003, lr  }
0x1b: {  	s9 =	sadd.s32 $0xFFFFFEF7, lr;
	s5 =	simm.s32 $0xFFFFFFFF;
	p2 =	slt.u32 s8, $0xFFFFF086  }
0x1c: {  	p1 =	slt.u32 s9, $0xF7A;
	s5 =	simm.s32 @!p2 $0x0  }
0x1d: {  	s5 =	simm.s32 @p1 $0x1;
	p0 =	seq.s32 s7, s2  }
0x1e: {  	s7 =	smul.u32 @!p0 $0xF7A, s2;
	p2 =	seq.s32 @!p0 s5, $0x0  }
0x1f: {  	s9 =	smul.u32 $0xF7A, s1;
	s8 =	simm.s32 @!p0 $0x1BF5;
	p2 =	por !p2, p0  }
0x20: {  	[sflag:s8] =	ssyncset.s32 @!p0 $0xFFFFF086;
	s6 =	sadd.s32 @!p0 s3, s7;
	s7 =	simm.s32 @!p0 $0x108  }
0x21: {  	s3 =	sadd.s32 s3, s9;
	s6 =	sadd.s32 @!p0 $0x88, s6;
	s7 =	simm.s32 @p2 $0x1082  }
0x22: {  	[simem:s7], [sflag:s8] =	dma.local @!p0 [hbm:s6], $0xF7A  }
0x23: {  	s9 =	sor.u32 $0xD0000000, s2;
	s6 =	simm.s32 $0x108;
	_ =	swait.ge @!p0 [sflag:s8], $0x0  }
0x24: {  	s3 =	sadd.s32 $0x88, s3;
	s6 =	simm.s32 @!p1 $0x1082;
	[sflag:s4] =	ssyncset.s32 $0xFFFFF086  }
0x25: {  	[simem:s6], [sflag:s4] =	dma.local [hbm:s3], $0xF7A  }
0x26: {  	[smem:$0x3F9C] =	sst s1;
	(tag) =	ssettag s2;
	_ =	strace s9  }
0x27: {  	s1 =	sld [smem:$0x3FAC]  }
0x28: {  	s2 =	sld [smem:$0x3FAD]  }
0x29: {  	s4 =	sld [smem:$0x3FAF]  }
0x2a: {  	p0 =	seq.s32 s5, $0x0;
	s5 =	sld [smem:$0x3FB0]  }
0x2b: {  	s6 =	sld [smem:$0x3FB1]  }
0x2c: {  	s7 =	sld [smem:$0x3FB2]  }
0x2d: {  	s3 =	simm.s32 $0x108;
	s8 =	sld [smem:$0x3FB3]  }
0x2e: {  	s3 =	simm.s32 @!p0 $0x1082;
	s9 =	sld [smem:$0x3FB4]  }
0x2f: {  	lr =	sadd.s32 s0, s3;
	s0 =	sld [smem:$0x3FAB]  }
0x30: {  	s3 =	sld [smem:$0x3FAE]  }
0x31: {  	[smem:$0x3FB7] =	sst s10  }
0x32: {  	s10 =	sld [smem:$0x3FB5];
	_ =	sdelay $0x3  }
0x33: {  	p0 =	seq.s32 s10, $0x1;
	s10 =	sld [smem:$0x3FB7];
	_ =	sdelay $0x3  }
0x34: {  	[smem:$0x3FB7] =	sst s10  }
0x35: {  	s10 =	sld [smem:$0x3FB6];
	_ =	sdelay $0x3  }
0x36: {  	p1 =	seq.s32 s10, $0x1;
	s10 =	sld [smem:$0x3FB7];
	_ =	sdelay $0x3  }
0x37: {  	[smem:$0x3FB7] =	sst s10  }
0x38: {  	s10 =	sld [smem:$0x3FB8]  }
0x39: {  	_ = 	snop;
	(pc) =	sbr.ind lr, $3  }
0x3a: {  	_ = 	snop  }
0x3b: {  	_ = 	snop  }
0x3c: {  	p2 =	seq.s32 s10, $0x1;
	s10 =	sld [smem:$0x3FB7]  }
0x3d: {  	_ =	shalt  }
0x3e: {  	_ =	shalt  }
0x3f: {  	_ =	shalt  }
0x40: {  	_ =	shalt  }
0x41: {  	_ =	shalt  }
0x42: {  	_ =	shalt  }
0x43: {  	_ =	shalt  }
0x44: {  	_ =	shalt  }
0x45: {  	_ =	shalt  }
0x46: {  	_ =	shalt  }
0x47: {  	_ =	shalt  }
0x48: {  	_ =	shalt  }
0x49: {  	_ =	shalt  }
0x4a: {  	_ =	shalt  }
0x4b: {  	_ =	shalt  }
0x4c: {  	_ =	shalt  }
0x4d: {  	_ =	shalt  }
0x4e: {  	_ =	shalt  }
0x4f: {  	_ =	shalt  }
0x50: {  	_ =	shalt  }
0x51: {  	_ =	shalt  }
0x52: {  	_ =	shalt  }
0x53: {  	_ =	shalt  }
0x54: {  	_ =	shalt  }
0x55: {  	_ =	shalt  }
0x56: {  	_ =	shalt  }
0x57: {  	_ =	shalt  }
0x58: {  	_ =	shalt  }
0x59: {  	_ =	shalt  }
0x5a: {  	_ =	shalt  }
0x5b: {  	_ =	shalt  }
0x5c: {  	_ =	shalt  }
0x5d: {  	_ =	shalt  }
0x5e: {  	_ =	shalt  }
0x5f: {  	_ =	shalt  }
0x60: {  	_ =	shalt  }
0x61: {  	_ =	shalt  }
0x62: {  	_ =	shalt  }
0x63: {  	_ =	shalt  }
0x64: {  	_ =	shalt  }
0x65: {  	_ =	shalt  }
0x66: {  	_ =	shalt  }
0x67: {  	_ =	shalt  }
0x68: {  	_ =	shalt  }
0x69: {  	_ =	shalt  }
0x6a: {  	_ =	shalt  }
0x6b: {  	_ =	shalt  }
0x6c: {  	_ =	shalt  }
0x6d: {  	_ =	shalt  }
0x6e: {  	_ =	shalt  }
0x6f: {  	_ =	shalt  }
0x70: {  	_ =	shalt  }
0x71: {  	_ =	shalt  }
0x72: {  	_ =	shalt  }
0x73: {  	_ =	shalt  }
0x74: {  	_ =	shalt  }
0x75: {  	_ =	shalt  }
0x76: {  	_ =	shalt  }
0x77: {  	_ =	shalt  }
0x78: {  	_ =	shalt  }
0x79: {  	_ =	shalt  }
0x7a: {  	_ =	shalt  }
0x7b: {  	_ =	shalt  }
0x7c: {  	_ =	shalt  }
0x7d: {  	_ =	shalt  }
0x7e: {  	_ =	shalt  }
0x7f: {  	_ =	shalt  }
0x80: {  	_ =	shalt  }
0x81: {  	_ =	shalt  }
0x82: {  	_ =	shalt  }
0x83: {  	_ =	shalt  }
0x84: {  	_ =	shalt  }
0x85: {  	_ =	shalt  }
0x86: {  	_ =	shalt  }
0x87: {  	_ =	shalt  }
.Lfunc_end0:
.L_simem_size_0:
called_computation_lowered:
.L_overlay_start_0:
0x88: {  	s2 =	sld [smem:$0x3FD9]  }
0x89: {  	s3 =	sld [smem:$0x3FFE];
	_ =	sdelay $0x1  }
0x8a: {  	s1 =	srdreg.scid  }
0x8b: {  	s0 =	sand.u32 $0x1, s1  }
0x8c: {  	s17 =	sshll.u32 s0, $0xA;
	s2 =	sadd.s32 s3, s2  }
0x8d: {  	s2 =	sadd.s32 s2, s17  }
0x8e: {  	[smem:$0x3FC3] =	sst s2  }
0x8f: {  	_ = 	snop  }
0x90: {  	s2 =	sld [smem:$0x3FD0];
	(tm) =	ssettm $0x1  }
0x91: {  	s18 =	sld [smem:$0x3FFB];
	_ =	sdelay $0x3  }
0x92: {  	_ =	strace s18  }
0x93: {  	s3 =	sld [smem:$0x3FFC];
	_ =	sdelay $0x3  }
0x94: {  	_ =	strace s3  }
0x95: {  	s3 =	sld [smem:$0x3FFD];
	_ =	sdelay $0x3  }
0x96: {  	_ =	strace s3  }
0x97: {  	_ =	strace $0x8FFFFFFF  }
0x98: {  	s19 =	sld [smem:$0x3FDB];
	_ =	sdelay $0x1  }
0x99: {  	s4 =	simm.s32 $_scs_section_size  }
0x9a: {  	s5 =	simm.s32 $_size__tile_overlayer_lowered;
	s6 =	simm.s32 $_tile_overlayer_lowered  }
0x9b: {  	s22 =	simm.s32 $0x1BFF;
	s21 =	sshll.u32 s6, $0x1;
	s3 =	sadd.s32 s4, s19  }
0x9c: {  	s7 =	simm.s32 $0x0;
	s20 =	sshll.u32 s5, $0x1;
	s5 =	sadd.s32 s21, s3  }
0x9d: {  	[timem:s7], [sflag:s22] =	dma.local [hbm:s5], s20  }
0x9e: {  	_ =	swait.ge [sflag:s22], s20  }
0x9f: {  	s4 =	ssub.s32 $0x0, s20;
	[sflag:s22] =	ssyncset.done $0x0  }
0xa0: {  	[sflag:s22] =	ssyncadd.s32 s4;
	_ =	sdelay $0x1  }
0xa1: {  	s23 =	simm.s32 $0x1B8B  }
0xa2: {  	_ =	swait.ge [sflag:s23], $0x1  }
0xa3: {  	[sflag:s23] =	ssyncset.done $0x0  }
0xa4: {  	s25 =	simm.s32 $0x1B8E;
	s24 =	sld [smem:$0x3FFE];
	[sflag:s23] =	ssyncadd.s32 $0xFFFFFFFF  }
0xa5: {  	s26 =	simm.s32 $execute0_lowered;
	[smem:$0x3FD2] =	sst s25  }
0xa6: {  	s5 =	sshll.u32 s26, $0x1;
	_ =	strace $0x80000046;
	[dreg:$0x1] =	wrdreg $0xFFFFFFFF  }
0xa7: {  	s28 =	simm.s32 $_size_execute0_lowered;
	s3 =	sadd.s32 s3, s5;
	[dreg:$0x0] =	wrdreg $0x0  }
0xa8: {  	s5 =	sshll.u32 s28, $0x1;
	[dreg:$0x2] =	wrdreg s3  }
0xa9: {  	[dreg:$0x3] =	wrdreg s5  }
0xaa: {  	[dreg:$0x4] =	wrdreg $0xC0  }
0xab: {  	_ =	task [dreg:s7], $0x5FFFF  }
0xac: {  	[dreg:$0x1] =	wrdreg $0xFFFFFFFF  }
0xad: {  	[dreg:$0x0] =	wrdreg $0x60  }
0xae: {  	[dreg:$0x2] =	wrdreg s24  }
0xaf: {  	[dreg:$0x3] =	wrdreg s2  }
0xb0: {  	[dreg:$0x4] =	wrdreg $0x9  }
0xb1: {  	_ =	task.clear_ibuf [dreg:s7], $0x5FFFF;
	_ =	strace $0x90000046  }
0xb2: {  	s29 =	simm.s32 $0x9;
	_ =	strace $0x80000048  }
0xb3: {  	_ =	swait.ge [sflag:s29], $0x1  }
0xb4: {  	[sflag:s29] =	ssyncadd.s32 $0xFFFFFFFF  }
0xb5: {  	_ =	strace $0x90000048  }
0xb6: {  	_ =	sfence  }
0xb7: {  	s30 =	sld [smem:$0x0];
	_ =	sdelay $0x2  }
0xb8: {  	s31 =	sshll.u32 s1, $0xD;
	s1 =	sshrl.u32 s1, $0x2  }
0xb9: {  	s3 =	sand.u32 $0x4000, s31;
	s1 =	sadd.s32 s1, s30  }
0xba: {  	s0 =	sor.u32 s3, s0;
	s1 =	sshll.u32 s1, $0x11  }
0xbb: {  	s0 =	sor.u32 s1, s0  }
0xbc: {  	s0 =	sadd.s32 $0x8F2B, s0  }
0xbd: {  	[sflag:s0] =	ssyncadd.remote.s32 $0x1  }
0xbe: {  	_ =	sfence.sel $0xFFFF  }
0xbf: {  	[dreg:$0x0] =	wrdreg $0xFFFFFFFF;
	(pc) =	sbr.abs _section_cstart, $3  }
0xc0: {  	[dreg:$0x1] =	wrdreg $0xFFFFFFFF  }
0xc1: {  	_ =	task.clear_ibuf [dreg:s7], $0x2FFFF;
	_ =	strace $0x9FFFFFFF  }
0xc2: {  	(tm) =	ssettm $0x7FFFFFFF  }
0xc3: {  	_ =	shalt  }
tec
execute0_lowered:
.L_overlay_start_1:
0x0: {  	(tag) =	ssettag $0x1  }
0x1: {  	s4 =	rddreg [dreg:$0x0]  }
0x2: {  	s6 =	rddreg [dreg:$0x1]  }
0x3: {  	s0 =	rddreg [dreg:$0x2];
	s3 =	srdreg.scid  }
0x4: {  	s2 =	simm.s32 $0x0;
	s1 =	stileid.u32;
	s9 =	simm.s32 $0x1  }
0x5: {  	s10 =	simm.s32 $0x2;
	s11 =	simm.s32 $0x0;
	s7 =	sand.u32 $0x1, s3  }
0x6: {  	[smem:$0x7FF] =	sst s2;
	s29 =	sshll.u32 s1, $0xC;
	s3 =	sadd.s32 $0x400, s4  }
0x7: {  	s31 =	sshll.u32 s1, $0x11;
	s5 =	sshll.u32 s7, $0xB;
	_ =	strace $0x80000047  }
0x8: {  	v0 =	vlaneseq.u32;
	s8 =	ssub.s32 $0x2, s7;
	s6 =	sadd.s32 s31, s6;
	s7 =	sshll.u32 s7, $0x10  }
0x9: {  	v0 =	vand.u32 $0x3, v0;
	s5 =	sor.u32 s5, s29;
	s30 =	sshrl.u32 s8, $0x1;
	s6 =	sadd.s32 s7, s6  }
0xa: {  	v0 =	vmul.u32 $0x8, v0;
	s7 =	simm.s32 $0x3;
	s4 =	sadd.s32 s5, s4;
	s5 =	ssub.s32 s8, s30  }
0xb: {  	s8 =	simm.s32 $0x80;
	s4 =	sadd.s32 $0x600, s4;
	s5 =	smax.u32 s5, $0x1  }
.LBB2_1:
0xc: {  	[tilespmem:s2], [sflag:$0x3] =	stream.linear.gather [hbm4b:s4+s2], $0x4000, $0x38;
	[tilespmem:$0x14000] =	vst v63  }
0xd: {  	s12 =	sand.u32 $0xFE00, s2;
	_ =	swait.ge [sflag:s7], $0x4000  }
0xe: {  	s13 =	sand.u32 $0x70, s2;
	s12 =	sshrl.u32 s12, $0x2;
	[sflag:s7] =	ssyncset.done $0x0  }
0xf: {  	s12 =	sor.u32 s13, s12;
	[sflag:s7] =	ssyncadd.s32 $0xFFFFC000  }
0x10: {  	v1 =	vld [tilespmem:s12+$0x0];
	_ =	sdelay $0x2  }
0x11: {  	s14 =	simm.s32 $0x40  }
0x12: {  	s15 =	sand.u32 $0xFE00, s14;
	s14 =	simm.s32 $0x80;
	s13 =	simm.s32 $0x10  }
.LBB2_2:
0x13: {  	p0 =	sne.s32 s14, $0xFFC0;
	s16 =	sand.u32 $0x70, s13;
	s15 =	sshrl.u32 s15, $0x2;
	v1 =	vadd.s32 v0, v1  }
0x14: {  	[tilespmem:s12+$0x0] =	vst v1;
	s12 =	sor.u32 s16, s15  }
.Ltmp0:
0x15: {  	v1 =	vld [tilespmem:s12+$0x0];
	(pc) =	sbr.rel @p0 .LBB2_2-.Ltmp0, $2  }
0x16: {  	_ =	sdelay $0x2  }
0x17: {  	s13 =	sadd.s32 $0x10, s13;
	s15 =	sand.u32 $0xFE00, s14;
	s14 =	sadd.s32 $0x40, s14  }
0x18: {  	s13 =	sand.u32 $0x70, s13;
	s14 =	sshrl.u32 s15, $0x2;
	v1 =	vadd.s32 v0, v1  }
0x19: {  	s13 =	sor.u32 s13, s14;
	[tilespmem:s12+$0x0] =	vst v1  }
0x1a: {  	v1 =	vld [tilespmem:s13+$0x0];
	_ =	sdelay $0x4  }
0x1b: {  	p0 =	por $0x1, $0x1;
	v1 =	vadd.s32 v0, v1  }
0x1c: {  	s12 =	simm.s32 @!p0 $0x2;
	[tilespmem:s13+$0x0] =	vst v1  }
0x1d: {  	s30 =	simm.s32 $0x0;
	_ =	swait.ge @!p0 [sflag:s12], $0x8000  }
0x1e: {  	s31 =	sand.u32 $0x8000, s30;
	[sflag:s12] =	ssyncset.done @!p0 $0x0  }
0x1f: {  	s16 =	simm.s32 $0x0;
	s13 =	sor.u32 $0x4000, s31;
	[sflag:s12] =	ssyncadd.s32 @!p0 $0xFFFF8000  }
0x20: {  	[tilespmem:s13], [sflag:$0x1] =	stream.indirect.gather [hbm4b:s3+s8], $0x20, s16, s8, $0xb8;
	[tilespmem:$0x14000] =	vst v63  }
0x21: {  	s18 =	simm.s32 $0x80;
	s17 =	sor.u32 $0x5000, s31  }
0x22: {  	[tilespmem:s17], [sflag:$0x1] =	stream.indirect.gather [hbm4b:s3+s8], $0x20, s18, s8, $0xb8;
	[tilespmem:$0x14000] =	vst v63  }
0x23: {  	s20 =	simm.s32 $0x100;
	s19 =	sor.u32 $0x6000, s31  }
0x24: {  	[tilespmem:s19], [sflag:$0x1] =	stream.indirect.gather [hbm4b:s3+s8], $0x20, s20, s8, $0xb8;
	[tilespmem:$0x14000] =	vst v63  }
0x25: {  	s22 =	simm.s32 $0x180;
	s21 =	sor.u32 $0x7000, s31  }
0x26: {  	[tilespmem:s21], [sflag:$0x1] =	stream.indirect.gather [hbm4b:s3+s8], $0x20, s22, s8, $0xb8;
	[tilespmem:$0x14000] =	vst v63  }
0x27: {  	s24 =	simm.s32 $0x200;
	s23 =	sadd.s32 $0x8000, s31  }
0x28: {  	[tilespmem:s23], [sflag:$0x1] =	stream.indirect.gather [hbm4b:s3+s8], $0x20, s24, s8, $0xb8;
	[tilespmem:$0x14000] =	vst v63  }
0x29: {  	s26 =	simm.s32 $0x280;
	s25 =	sadd.s32 $0x9000, s31  }
0x2a: {  	[tilespmem:s25], [sflag:$0x1] =	stream.indirect.gather [hbm4b:s3+s8], $0x20, s26, s8, $0xb8;
	[tilespmem:$0x14000] =	vst v63  }
0x2b: {  	s29 =	simm.s32 $0x300;
	s28 =	sadd.s32 $0xA000, s31  }
0x2c: {  	[tilespmem:s28], [sflag:$0x1] =	stream.indirect.gather [hbm4b:s3+s8], $0x20, s29, s8, $0xb8;
	[tilespmem:$0x14000] =	vst v63  }
0x2d: {  	s30 =	sadd.s32 $0xB000, s31;
	s31 =	simm.s32 $0x380  }
0x2e: {  	[tilespmem:s30], [sflag:$0x1] =	stream.indirect.gather [hbm4b:s3+s8], $0x20, s31, s8, $0xb8;
	[tilespmem:$0x14000] =	vst v63  }
0x2f: {  	_ =	swait.ge [sflag:s9], $0x1000  }
0x30: {  	[sflag:s9] =	ssyncset.done $0x0  }
0x31: {  	[sflag:s9] =	ssyncadd.s32 $0xFFFFF000  }
0x32: {  	_ =	swait.ge [sflag:s9], $0x1000  }
0x33: {  	[sflag:s9] =	ssyncset.done $0x0  }
0x34: {  	[sflag:s9] =	ssyncadd.s32 $0xFFFFF000  }
0x35: {  	_ =	swait.ge [sflag:s9], $0x1000  }
0x36: {  	[sflag:s9] =	ssyncset.done $0x0  }
0x37: {  	[sflag:s9] =	ssyncadd.s32 $0xFFFFF000  }
0x38: {  	_ =	swait.ge [sflag:s9], $0x1000  }
0x39: {  	[sflag:s9] =	ssyncset.done $0x0  }
0x3a: {  	[sflag:s9] =	ssyncadd.s32 $0xFFFFF000  }
0x3b: {  	_ =	swait.ge [sflag:s9], $0x1000  }
0x3c: {  	[sflag:s9] =	ssyncset.done $0x0  }
0x3d: {  	[sflag:s9] =	ssyncadd.s32 $0xFFFFF000  }
0x3e: {  	_ =	swait.ge [sflag:s9], $0x1000  }
0x3f: {  	[sflag:s9] =	ssyncset.done $0x0  }
0x40: {  	[sflag:s9] =	ssyncadd.s32 $0xFFFFF000  }
0x41: {  	_ =	swait.ge [sflag:s9], $0x1000  }
0x42: {  	[sflag:s9] =	ssyncset.done $0x0  }
0x43: {  	s15 =	simm.s32 $0x2000;
	p1 =	por $0x1, $0x1;
	[sflag:s9] =	ssyncadd.s32 $0xFFFFF000  }
0x44: {  	s14 =	simm.s32 $0x8000;
	s12 =	simm.s32 $0x1000;
	_ =	swait.ge [sflag:s9], $0x1000  }
0x45: {  	s16 =	simm.s32 $0x1;
	s18 =	sadd.s32 $0x0, s6;
	[sflag:s9] =	ssyncset.done $0x0  }
.LBB2_4:
0x46: {  	s19 =	simm.s32 @!p1 $0x2;
	[sflag:s9] =	ssyncadd.s32 $0xFFFFF000  }
0x47: {  	s17 =	smov.u32 s12;
	s12 =	smov.u32 s15;
	s15 =	sadd.s32 $0x1000, s15  }
0x48: {  	[hbm4b:s18+s2] =	stream.linear.scatter [tilespmem:s13], [sflag:$0x2], $0x8000, $0x38;
	[tilespmem:$0x14000] =	vst v63  }
0x49: {  	p0 =	sne.s32 s15, $0x10000;
	_ =	swait.ge @!p1 [sflag:s19], $0x8000  }
0x4a: {  	s18 =	sand.u32 $0x8000, s14;
	[sflag:s19] =	ssyncset.done @!p1 $0x0  }
0x4b: {  	s13 =	sor.u32 $0x4000, s18;
	[sflag:s19] =	ssyncadd.s32 @!p1 $0xFFFF8000;
	s19 =	sshra.s32 s17, $0x2  }
0x4c: {  	[tilespmem:s13], [sflag:$0x1] =	stream.indirect.gather [hbm4b:s3+s8], $0x20, s19, s8, $0xb8;
	[tilespmem:$0x14000] =	vst v63  }
0x4d: {  	s20 =	sor.u32 $0x5000, s18;
	s21 =	sadd.s32 $0x80, s19  }
0x4e: {  	[tilespmem:s20], [sflag:$0x1] =	stream.indirect.gather [hbm4b:s3+s8], $0x20, s21, s8, $0xb8;
	[tilespmem:$0x14000] =	vst v63  }
0x4f: {  	s20 =	sor.u32 $0x6000, s18;
	s21 =	sadd.s32 $0x100, s19  }
0x50: {  	[tilespmem:s20], [sflag:$0x1] =	stream.indirect.gather [hbm4b:s3+s8], $0x20, s21, s8, $0xb8;
	[tilespmem:$0x14000] =	vst v63  }
0x51: {  	s20 =	sor.u32 $0x7000, s18;
	s21 =	sadd.s32 $0x180, s19  }
0x52: {  	[tilespmem:s20], [sflag:$0x1] =	stream.indirect.gather [hbm4b:s3+s8], $0x20, s21, s8, $0xb8;
	[tilespmem:$0x14000] =	vst v63  }
0x53: {  	s20 =	sadd.s32 $0x8000, s18;
	s21 =	sadd.s32 $0x200, s19  }
0x54: {  	[tilespmem:s20], [sflag:$0x1] =	stream.indirect.gather [hbm4b:s3+s8], $0x20, s21, s8, $0xb8;
	[tilespmem:$0x14000] =	vst v63  }
0x55: {  	s20 =	sadd.s32 $0x9000, s18;
	s21 =	sadd.s32 $0x280, s19  }
0x56: {  	[tilespmem:s20], [sflag:$0x1] =	stream.indirect.gather [hbm4b:s3+s8], $0x20, s21, s8, $0xb8;
	[tilespmem:$0x14000] =	vst v63  }
0x57: {  	s20 =	sadd.s32 $0xA000, s18;
	s21 =	sadd.s32 $0x300, s19  }
0x58: {  	[tilespmem:s20], [sflag:$0x1] =	stream.indirect.gather [hbm4b:s3+s8], $0x20, s21, s8, $0xb8;
	[tilespmem:$0x14000] =	vst v63  }
0x59: {  	s18 =	sadd.s32 $0xB000, s18;
	s19 =	sadd.s32 $0x380, s19  }
0x5a: {  	[tilespmem:s18], [sflag:$0x1] =	stream.indirect.gather [hbm4b:s3+s8], $0x20, s19, s8, $0xb8;
	[tilespmem:$0x14000] =	vst v63  }
0x5b: {  	_ =	swait.ge [sflag:s9], $0x1000  }
0x5c: {  	[sflag:s9] =	ssyncset.done $0x0  }
0x5d: {  	[sflag:s9] =	ssyncadd.s32 $0xFFFFF000  }
0x5e: {  	_ =	swait.ge [sflag:s9], $0x1000  }
0x5f: {  	[sflag:s9] =	ssyncset.done $0x0  }
0x60: {  	[sflag:s9] =	ssyncadd.s32 $0xFFFFF000  }
0x61: {  	_ =	swait.ge [sflag:s9], $0x1000  }
0x62: {  	[sflag:s9] =	ssyncset.done $0x0  }
0x63: {  	[sflag:s9] =	ssyncadd.s32 $0xFFFFF000  }
0x64: {  	_ =	swait.ge [sflag:s9], $0x1000  }
0x65: {  	[sflag:s9] =	ssyncset.done $0x0  }
0x66: {  	[sflag:s9] =	ssyncadd.s32 $0xFFFFF000  }
0x67: {  	_ =	swait.ge [sflag:s9], $0x1000  }
0x68: {  	[sflag:s9] =	ssyncset.done $0x0  }
0x69: {  	[sflag:s9] =	ssyncadd.s32 $0xFFFFF000  }
0x6a: {  	_ =	swait.ge [sflag:s9], $0x1000  }
0x6b: {  	[sflag:s9] =	ssyncset.done $0x0  }
0x6c: {  	[sflag:s9] =	ssyncadd.s32 $0xFFFFF000  }
.Ltmp1:
0x6d: {  	_ =	swait.ge [sflag:s9], $0x1000;
	(pc) =	sbr.rel @p0 .LBB2_4-.Ltmp1, $4  }
0x6e: {  	[sflag:s9] =	ssyncset.done $0x0  }
0x6f: {  	[sflag:s9] =	ssyncadd.s32 $0xFFFFF000  }
0x70: {  	s16 =	sadd.s32 $0x1, s16;
	s14 =	sadd.s32 $0x8000, s14;
	_ =	swait.ge [sflag:s9], $0x1000  }
0x71: {  	p1 =	slt.u32 s16, $0x2;
	s18 =	sadd.s32 s17, s6;
	[sflag:s9] =	ssyncset.done $0x0  }
0x72: {  	s15 =	simm.s32 @!p1 $0x2;
	[sflag:s9] =	ssyncadd.s32 $0xFFFFF000  }
0x73: {  	[hbm4b:s18+s2] =	stream.linear.scatter [tilespmem:s13], [sflag:$0x2], $0x8000, $0x38;
	[tilespmem:$0x14000] =	vst v63  }
0x74: {  	_ =	swait.ge @!p1 [sflag:s15], $0x8000  }
0x75: {  	s18 =	sand.u32 $0x8000, s14;
	[sflag:s15] =	ssyncset.done @!p1 $0x0  }
0x76: {  	s19 =	sshra.s32 s12, $0x2;
	s14 =	sor.u32 $0x4000, s18;
	[sflag:s15] =	ssyncadd.s32 @!p1 $0xFFFF8000  }
0x77: {  	[tilespmem:s14], [sflag:$0x1] =	stream.indirect.gather [hbm4b:s3+s8], $0x20, s19, s8, $0xb8;
	[tilespmem:$0x14000] =	vst v63  }
0x78: {  	s17 =	sadd.s32 $0x80, s19;
	s16 =	sor.u32 $0x5000, s18  }
0x79: {  	[tilespmem:s16], [sflag:$0x1] =	stream.indirect.gather [hbm4b:s3+s8], $0x20, s17, s8, $0xb8;
	[tilespmem:$0x14000] =	vst v63  }
0x7a: {  	s21 =	sadd.s32 $0x100, s19;
	s20 =	sor.u32 $0x6000, s18  }
0x7b: {  	[tilespmem:s20], [sflag:$0x1] =	stream.indirect.gather [hbm4b:s3+s8], $0x20, s21, s8, $0xb8;
	[tilespmem:$0x14000] =	vst v63  }
0x7c: {  	s23 =	sadd.s32 $0x180, s19;
	s22 =	sor.u32 $0x7000, s18  }
0x7d: {  	[tilespmem:s22], [sflag:$0x1] =	stream.indirect.gather [hbm4b:s3+s8], $0x20, s23, s8, $0xb8;
	[tilespmem:$0x14000] =	vst v63  }
0x7e: {  	s25 =	sadd.s32 $0x200, s19;
	s24 =	sadd.s32 $0x8000, s18  }
0x7f: {  	[tilespmem:s24], [sflag:$0x1] =	stream.indirect.gather [hbm4b:s3+s8], $0x20, s25, s8, $0xb8;
	[tilespmem:$0x14000] =	vst v63  }
0x80: {  	s28 =	sadd.s32 $0x280, s19;
	s26 =	sadd.s32 $0x9000, s18  }
0x81: {  	[tilespmem:s26], [sflag:$0x1] =	stream.indirect.gather [hbm4b:s3+s8], $0x20, s28, s8, $0xb8;
	[tilespmem:$0x14000] =	vst v63  }
0x82: {  	s30 =	sadd.s32 $0x300, s19;
	s29 =	sadd.s32 $0xA000, s18  }
0x83: {  	[tilespmem:s29], [sflag:$0x1] =	stream.indirect.gather [hbm4b:s3+s8], $0x20, s30, s8, $0xb8;
	[tilespmem:$0x14000] =	vst v63  }
0x84: {  	s13 =	sadd.s32 $0xB000, s18;
	s15 =	sadd.s32 $0x380, s19  }
0x85: {  	[tilespmem:s13], [sflag:$0x1] =	stream.indirect.gather [hbm4b:s3+s8], $0x20, s15, s8, $0xb8;
	[tilespmem:$0x14000] =	vst v63  }
0x86: {  	_ =	swait.ge [sflag:s9], $0x1000  }
0x87: {  	[sflag:s9] =	ssyncset.done $0x0  }
0x88: {  	[sflag:s9] =	ssyncadd.s32 $0xFFFFF000  }
0x89: {  	_ =	swait.ge [sflag:s9], $0x1000  }
0x8a: {  	[sflag:s9] =	ssyncset.done $0x0  }
0x8b: {  	[sflag:s9] =	ssyncadd.s32 $0xFFFFF000  }
0x8c: {  	_ =	swait.ge [sflag:s9], $0x1000  }
0x8d: {  	[sflag:s9] =	ssyncset.done $0x0  }
0x8e: {  	[sflag:s9] =	ssyncadd.s32 $0xFFFFF000  }
0x8f: {  	_ =	swait.ge [sflag:s9], $0x1000  }
0x90: {  	[sflag:s9] =	ssyncset.done $0x0  }
0x91: {  	[sflag:s9] =	ssyncadd.s32 $0xFFFFF000  }
0x92: {  	_ =	swait.ge [sflag:s9], $0x1000  }
0x93: {  	[sflag:s9] =	ssyncset.done $0x0  }
0x94: {  	[sflag:s9] =	ssyncadd.s32 $0xFFFFF000  }
0x95: {  	_ =	swait.ge [sflag:s9], $0x1000  }
0x96: {  	[sflag:s9] =	ssyncset.done $0x0  }
0x97: {  	[sflag:s9] =	ssyncadd.s32 $0xFFFFF000  }
0x98: {  	_ =	swait.ge [sflag:s9], $0x1000  }
0x99: {  	[sflag:s9] =	ssyncset.done $0x0  }
0x9a: {  	[sflag:s9] =	ssyncadd.s32 $0xFFFFF000  }
0x9b: {  	_ =	swait.ge [sflag:s9], $0x1000  }
0x9c: {  	[sflag:s9] =	ssyncset.done $0x0  }
0x9d: {  	s31 =	sadd.s32 s12, s6;
	s11 =	sadd.s32 $0x1, s11;
	[sflag:s9] =	ssyncadd.s32 $0xFFFFF000  }
0x9e: {  	[hbm4b:s31+s2] =	stream.linear.scatter [tilespmem:s14], [sflag:$0x2], $0x8000, $0x38;
	[tilespmem:$0x14000] =	vst v63  }
0x9f: {  	p0 =	sne.s32 s11, s5;
	_ =	swait.ge [sflag:s10], $0x8000  }
.Ltmp2:
0xa0: {  	[sflag:s10] =	ssyncset.done $0x0;
	(pc) =	sbr.rel @p0 .LBB2_1-.Ltmp2, $4  }
0xa1: {  	[sflag:s10] =	ssyncadd.s32 $0xFFFF8000  }
0xa2: {  	_ =	swait.ge [sflag:s10], $0x8000  }
0xa3: {  	[sflag:s10] =	ssyncset.done $0x0  }
0xa4: {  	[sflag:s10] =	ssyncadd.s32 $0xFFFF8000  }
0xa5: {  	_ =	sfence.sel $0x180000  }
0xa6: {  	[bflag:$0x0] =	sbarrier.arrive $0xFFFF  }
0xa7: {  	p0 =	sne.s32 s1, $0x0;
	_ =	strace $0x90000047  }
0xa8: {  	s0 =	sadd.s32 @!p0 $0x100000, s0;
	[bflag:$0x2] =	sbarrier.arrive $0xFFFF  }
0xa9: {  	[sflag:s0] =	ssyncadd.tile.s32 @!p0 $0x1;
	_ =	shalt  }
.Lfunc_end2:
_tile_overlayer_lowered:
.L_overlay_start_2:
0xaa: {  	(tag) =	ssettag $0x2  }
0xab: {  	s0 =	rddreg [dreg:$0x0];
	s2 =	stileid.u32  }
0xac: {  	s1 =	rddreg [dreg:$0x1];
	p0 =	sne.s32 s2, $0x0  }
0xad: {  	s3 =	rddreg [dreg:$0x2];
	[bflag:$0x3] =	sbarrier.arrive $0xFFFF;
	s2 =	simm.s32 @!p0 $0x1C03  }
0xae: {  	[timem:s3], [sflag:s2] =	dma.local @!p0 [hbm:s0], s1  }
0xaf: {  	s0 =	simm.s32 @!p0 $0x3  }
0xb0: {  	_ =	swait.ge @!p0 [sflag:s0], s1  }
0xb1: {  	s1 =	ssub.s32 @!p0 $0x0, s1;
	[sflag:s0] =	ssyncset.done @!p0 $0x0  }
0xb2: {  	[sflag:s0] =	ssyncadd.s32 @!p0 s1  }
0xb3: {  	[bflag:$0x3] =	sbarrier.arrive $0xFFFF  }
0xb4: {  	_ =	shalt  }

</sc_bundles>
